<compile_context>
chip_gen: v7x
topology: tpu7x:2x2x1
jax: 0.10.2.dev20260603
libtpu: 0.0.44.dev20260713+nightly
codegen_flags: <defaults>
</compile_context>

<pallas_src>
import functools

import jax
import jax.numpy as jnp
from jax import lax
from jax.experimental import pallas as pl
from jax.experimental.pallas import tpu as pltpu
from jax.experimental.pallas import tpu_sc as plsc

_BLOCK_ROWS = 16
_L = 16


def _copy_body(srow_ref, scol_ref, ct_ref, t_ref, out_ref):
    j = pl.program_id(0)
    row = srow_ref[0]
    col = scol_ref[0]
    base = j * _BLOCK_ROWS
    blk = ct_ref[...]
    hit = jnp.logical_and(row >= base, row < base + _BLOCK_ROWS)

    @pl.when(hit)
    def _():
        rows = jax.lax.broadcasted_iota(jnp.int32, blk.shape, 0) + base
        cols = jax.lax.broadcasted_iota(jnp.int32, blk.shape, 1)
        mask = jnp.logical_and(rows == row, cols == col)
        out_ref[...] = jnp.where(mask, t_ref[0, 0], blk)

    @pl.when(jnp.logical_not(hit))
    def _():
        out_ref[...] = blk


def _sc_inc_body(ind_hbm, rowb_hbm, out_hbm, ind_v, rowb_v):
    cid = lax.axis_index("c")
    sid = lax.axis_index("s")

    @pl.when(jnp.logical_and(cid == 0, sid == 0))
    def _():
        pltpu.sync_copy(ind_hbm, ind_v)
        pltpu.sync_copy(rowb_hbm, rowb_v)
        rv = rowb_v[...]
        n = ind_v.shape[0]
        for k in range(n // _L):
            seg = ind_v[pl.ds(k * _L, _L)]
            lanes = lax.iota(jnp.int32, _L) + (k * _L)
            ind_v[pl.ds(k * _L, _L)] = jnp.where(lanes == rv, seg + 1, seg)
        pltpu.sync_copy(ind_v, out_hbm)


def kernel(clicktimes, indices, idx, t):
    n_det, n_cols = clicktimes.shape
    grid = n_det // _BLOCK_ROWS
    row = jnp.asarray(idx, jnp.int32).reshape(1)
    col = jnp.take(indices, jnp.asarray(idx, jnp.int32)).reshape(1)
    t2d = jnp.asarray(t, jnp.float32).reshape(1, 1)

    out = pl.pallas_call(
        _copy_body,
        grid_spec=pltpu.PrefetchScalarGridSpec(
            num_scalar_prefetch=2,
            grid=(grid,),
            in_specs=[
                pl.BlockSpec((_BLOCK_ROWS, n_cols), lambda j, s1, s2: (j, 0)),
                pl.BlockSpec((1, 1), lambda j, s1, s2: (0, 0)),
            ],
            out_specs=pl.BlockSpec((_BLOCK_ROWS, n_cols), lambda j, s1, s2: (j, 0)),
        ),
        out_shape=jax.ShapeDtypeStruct((n_det, n_cols), clicktimes.dtype),
    )(row, col, clicktimes, t2d)

    rowb = jnp.full((_L,), jnp.asarray(idx, jnp.int32), jnp.int32)
    sc_inc = functools.partial(
        pl.kernel,
        out_type=jax.ShapeDtypeStruct((n_det,), jnp.int32),
        mesh=plsc.VectorSubcoreMesh(core_axis_name="c", subcore_axis_name="s"),
        scratch_types=[
            pltpu.VMEM((n_det,), jnp.int32),
            pltpu.VMEM((_L,), jnp.int32),
        ],
    )(_sc_inc_body)
    indout = sc_inc(indices, rowb)

    return (out, indout)

# --- scband reference (transcript-rebuilt; emitter-appended) ---
"""Pipeline reference for scband-jump-state-30846455120242 (READ-ONLY COPY).

The authoritative reference and input builder live on the scoring server;
editing this copy changes nothing except your own understanding.
"""

import jax, jax.numpy as jnp
import numpy as np


def setup_inputs(seed: int = 0) -> dict:
    key = jax.random.key(seed)
    k1, k2, k3 = jax.random.split(key, 3)
    n_det, max_clicks = 64, 65536
    # clicktimes buffer (float state field of the equinox module)
    clicktimes = jax.random.normal(k1, (n_det, max_clicks), dtype=jnp.float32)
    # per-channel write cursors, strictly < max_clicks so the .set stays in-range
    indices = jax.random.randint(k2, (n_det,), 0, max_clicks - 1, dtype=jnp.int32)
    # scalar args of new_click(idx, t)
    idx = 10
    t = jax.random.uniform(k3, (), dtype=jnp.float32)
    return {"clicktimes": clicktimes, "indices": indices, "idx": idx, "t": t}


def reference(clicktimes, indices, idx, t):
    # Faithful translation of JumpState.new_click:
    #   clicktimes = self.clicktimes.at[idx, self.indices[idx]].set(t)
    #   indices    = self.indices.at[idx].add(1)
    new_clicktimes = clicktimes.at[idx, indices[idx]].set(t)
    new_indices = indices.at[idx].add(1)
    return (new_clicktimes, new_indices)

if __name__ == "__main__":
    import jax
    _d = setup_inputs()
    print(jax.jit(kernel)(*tuple(_d.values())))

</pallas_src>

<mosaic_0001>
#map = affine_map<(d0, d1) -> (0)>
module attributes {stable_mosaic.version = 14 : i64} {
  func.func @_sc_inc_body(%arg0: i32, %arg1: i32, %arg2: memref<64xi32, #tpu.memory_space<hbm>>, %arg3: memref<16xi32, #tpu.memory_space<hbm>>, %arg4: memref<64xi32, #tpu.memory_space<hbm>>, %arg5: memref<64xi32, #tpu.memory_space<vmem>>, %arg6: memref<16xi32, #tpu.memory_space<vmem>>) attributes {dimension_semantics = [#tpu.dimension_semantics<core_parallel>, #tpu.dimension_semantics<subcore_parallel>], iteration_bounds = array<i64: 2, 16>, scalar_prefetch = 0 : i64, scratch_operands = 2 : i64, tpu.core_type = #tpu.core_type<sc_vector_subcore>, window_params = [{transform_indices = #map}, {transform_indices = #map}, {transform_indices = #map}]} {
    %eq3A = arith.constant 0 : i32
    %eq3A_0 = arith.cmpi eq, %arg0, %eq3A : i32
    %eq3A_1 = arith.constant 0 : i32
    %eq3A_2 = arith.cmpi eq, %arg1, %eq3A_1 : i32
    %and3A = arith.andi %eq3A_0, %eq3A_2 : i1
    %convert_element_type3A = arith.extui %and3A : i1 to i32
    %cond3A = arith.constant 0 : i32
    %cond3A_3 = arith.cmpi ne, %convert_element_type3A, %cond3A : i32
    scf.if %cond3A_3 {
      "tpu.region"() ({
        %run_scoped3A = tpu.sem_alloc : memref<!tpu.dma_semaphore, #tpu.memory_space<semaphore_mem>>
        tpu.enqueue_dma source(%arg2 : memref<64xi32, #tpu.memory_space<hbm>>) target(%arg5 : memref<64xi32, #tpu.memory_space<vmem>>) target_semaphore(%run_scoped3A : memref<!tpu.dma_semaphore, #tpu.memory_space<semaphore_mem>>)
        tpu.wait_dma2 semaphore(%run_scoped3A : memref<!tpu.dma_semaphore, #tpu.memory_space<semaphore_mem>>) src(%arg2 : memref<64xi32, #tpu.memory_space<hbm>>) dst(%arg5 : memref<64xi32, #tpu.memory_space<vmem>>)
        tpu.yield
      }) : () -> ()
      "tpu.region"() ({
        %run_scoped3A = tpu.sem_alloc : memref<!tpu.dma_semaphore, #tpu.memory_space<semaphore_mem>>
        tpu.enqueue_dma source(%arg3 : memref<16xi32, #tpu.memory_space<hbm>>) target(%arg6 : memref<16xi32, #tpu.memory_space<vmem>>) target_semaphore(%run_scoped3A : memref<!tpu.dma_semaphore, #tpu.memory_space<semaphore_mem>>)
        tpu.wait_dma2 semaphore(%run_scoped3A : memref<!tpu.dma_semaphore, #tpu.memory_space<semaphore_mem>>) src(%arg3 : memref<16xi32, #tpu.memory_space<hbm>>) dst(%arg6 : memref<16xi32, #tpu.memory_space<vmem>>)
        tpu.yield
      }) : () -> ()
      %get3A = arith.constant 0 : index
      %get3A_4 = tpu.vector_load %arg6[%get3A] {strides = array<i32>} : memref<16xi32, #tpu.memory_space<vmem>>, vector<16xi32>,
      %get3A_5 = vector.shape_cast %get3A_4 : vector<16xi32> to vector<16xi32>
      %get3A_6 = arith.constant 0 : index
      %get3A_7 = tpu.vector_load %arg5[%get3A_6] {strides = array<i32>} : memref<64xi32, #tpu.memory_space<vmem>>, vector<16xi32>,
      %get3A_8 = vector.shape_cast %get3A_7 : vector<16xi32> to vector<16xi32>
      %iota3A = tpu.iota {dimensions = array<i32: 0>} : vector<16xi32>
      %add3A = arith.constant 0 : i32
      %add3A_9 = vector.broadcast %add3A : i32 to vector<16xi32>
      %add3A_10 = arith.addi %iota3A, %add3A_9 : vector<16xi32>
      %eq3A_11 = arith.cmpi eq, %add3A_10, %get3A_5 : vector<16xi32>
      %add3A_12 = arith.constant 1 : i32
      %add3A_13 = vector.broadcast %add3A_12 : i32 to vector<16xi32>
      %add3A_14 = arith.addi %get3A_8, %add3A_13 : vector<16xi32>
      %select_n3A = arith.select %eq3A_11, %add3A_14, %get3A_8 : vector<16xi1>, vector<16xi32>
      %swap3A = arith.constant 0 : index
      %swap3A_15 = tpu.vector_load %arg5[%swap3A] {strides = array<i32>} : memref<64xi32, #tpu.memory_space<vmem>>, vector<16xi32>,
      %swap3A_16 = vector.shape_cast %swap3A_15 : vector<16xi32> to vector<16xi32>
      %swap3A_17 = vector.shape_cast %select_n3A : vector<16xi32> to vector<16xi32>
      tpu.vector_store %arg5[%swap3A], %swap3A_17 {strides = array<i32>} : memref<64xi32, #tpu.memory_space<vmem>>, vector<16xi32>,
      %get3A_18 = arith.constant 16 : index
      %get3A_19 = tpu.vector_load %arg5[%get3A_18] {strides = array<i32>} : memref<64xi32, #tpu.memory_space<vmem>>, vector<16xi32>,
      %get3A_20 = vector.shape_cast %get3A_19 : vector<16xi32> to vector<16xi32>
      %iota3A_21 = tpu.iota {dimensions = array<i32: 0>} : vector<16xi32>
      %add3A_22 = arith.constant 16 : i32
      %add3A_23 = vector.broadcast %add3A_22 : i32 to vector<16xi32>
      %add3A_24 = arith.addi %iota3A_21, %add3A_23 : vector<16xi32>
      %eq3A_25 = arith.cmpi eq, %add3A_24, %get3A_5 : vector<16xi32>
      %add3A_26 = arith.constant 1 : i32
      %add3A_27 = vector.broadcast %add3A_26 : i32 to vector<16xi32>
      %add3A_28 = arith.addi %get3A_20, %add3A_27 : vector<16xi32>
      %select_n3A_29 = arith.select %eq3A_25, %add3A_28, %get3A_20 : vector<16xi1>, vector<16xi32>
      %swap3A_30 = arith.constant 16 : index
      %swap3A_31 = tpu.vector_load %arg5[%swap3A_30] {strides = array<i32>} : memref<64xi32, #tpu.memory_space<vmem>>, vector<16xi32>,
      %swap3A_32 = vector.shape_cast %swap3A_31 : vector<16xi32> to vector<16xi32>
      %swap3A_33 = vector.shape_cast %select_n3A_29 : vector<16xi32> to vector<16xi32>
      tpu.vector_store %arg5[%swap3A_30], %swap3A_33 {strides = array<i32>} : memref<64xi32, #tpu.memory_space<vmem>>, vector<16xi32>,
      %get3A_34 = arith.constant 32 : index
      %get3A_35 = tpu.vector_load %arg5[%get3A_34] {strides = array<i32>} : memref<64xi32, #tpu.memory_space<vmem>>, vector<16xi32>,
      %get3A_36 = vector.shape_cast %get3A_35 : vector<16xi32> to vector<16xi32>
      %iota3A_37 = tpu.iota {dimensions = array<i32: 0>} : vector<16xi32>
      %add3A_38 = arith.constant 32 : i32
      %add3A_39 = vector.broadcast %add3A_38 : i32 to vector<16xi32>
      %add3A_40 = arith.addi %iota3A_37, %add3A_39 : vector<16xi32>
      %eq3A_41 = arith.cmpi eq, %add3A_40, %get3A_5 : vector<16xi32>
      %add3A_42 = arith.constant 1 : i32
      %add3A_43 = vector.broadcast %add3A_42 : i32 to vector<16xi32>
      %add3A_44 = arith.addi %get3A_36, %add3A_43 : vector<16xi32>
      %select_n3A_45 = arith.select %eq3A_41, %add3A_44, %get3A_36 : vector<16xi1>, vector<16xi32>
      %swap3A_46 = arith.constant 32 : index
      %swap3A_47 = tpu.vector_load %arg5[%swap3A_46] {strides = array<i32>} : memref<64xi32, #tpu.memory_space<vmem>>, vector<16xi32>,
      %swap3A_48 = vector.shape_cast %swap3A_47 : vector<16xi32> to vector<16xi32>
      %swap3A_49 = vector.shape_cast %select_n3A_45 : vector<16xi32> to vector<16xi32>
      tpu.vector_store %arg5[%swap3A_46], %swap3A_49 {strides = array<i32>} : memref<64xi32, #tpu.memory_space<vmem>>, vector<16xi32>,
      %get3A_50 = arith.constant 48 : index
      %get3A_51 = tpu.vector_load %arg5[%get3A_50] {strides = array<i32>} : memref<64xi32, #tpu.memory_space<vmem>>, vector<16xi32>,
      %get3A_52 = vector.shape_cast %get3A_51 : vector<16xi32> to vector<16xi32>
      %iota3A_53 = tpu.iota {dimensions = array<i32: 0>} : vector<16xi32>
      %add3A_54 = arith.constant 48 : i32
      %add3A_55 = vector.broadcast %add3A_54 : i32 to vector<16xi32>
      %add3A_56 = arith.addi %iota3A_53, %add3A_55 : vector<16xi32>
      %eq3A_57 = arith.cmpi eq, %add3A_56, %get3A_5 : vector<16xi32>
      %add3A_58 = arith.constant 1 : i32
      %add3A_59 = vector.broadcast %add3A_58 : i32 to vector<16xi32>
      %add3A_60 = arith.addi %get3A_52, %add3A_59 : vector<16xi32>
      %select_n3A_61 = arith.select %eq3A_57, %add3A_60, %get3A_52 : vector<16xi1>, vector<16xi32>
      %swap3A_62 = arith.constant 48 : index
      %swap3A_63 = tpu.vector_load %arg5[%swap3A_62] {strides = array<i32>} : memref<64xi32, #tpu.memory_space<vmem>>, vector<16xi32>,
      %swap3A_64 = vector.shape_cast %swap3A_63 : vector<16xi32> to vector<16xi32>
      %swap3A_65 = vector.shape_cast %select_n3A_61 : vector<16xi32> to vector<16xi32>
      tpu.vector_store %arg5[%swap3A_62], %swap3A_65 {strides = array<i32>} : memref<64xi32, #tpu.memory_space<vmem>>, vector<16xi32>,
      "tpu.region"() ({
        %run_scoped3A = tpu.sem_alloc : memref<!tpu.dma_semaphore, #tpu.memory_space<semaphore_mem>>
        tpu.enqueue_dma source(%arg5 : memref<64xi32, #tpu.memory_space<vmem>>) target(%arg4 : memref<64xi32, #tpu.memory_space<hbm>>) target_semaphore(%run_scoped3A : memref<!tpu.dma_semaphore, #tpu.memory_space<semaphore_mem>>)
        tpu.wait_dma2 semaphore(%run_scoped3A : memref<!tpu.dma_semaphore, #tpu.memory_space<semaphore_mem>>) src(%arg5 : memref<64xi32, #tpu.memory_space<vmem>>) dst(%arg4 : memref<64xi32, #tpu.memory_space<hbm>>)
        tpu.yield
      }) : () -> ()
    } else {
    }
    return
  }
}

module attributes {stable_mosaic.version = 14 : i64} {
  func.func @_copy_body(%arg0: i32, %arg1: memref<1xi32, #tpu.memory_space<smem>>, %arg2: memref<1xi32, #tpu.memory_space<smem>>, %arg3: memref<16x65536xf32, #tpu.memory_space<vmem>>, %arg4: memref<1x1xf32, #tpu.memory_space<vmem>>, %arg5: memref<16x65536xf32, #tpu.memory_space<vmem>>) attributes {dimension_semantics = [#tpu.dimension_semantics<arbitrary>], iteration_bounds = array<i64: 4>, scalar_prefetch = 2 : i64, scratch_operands = 0 : i64, tpu.core_type = #tpu.core_type<tc>, window_params = [{transform_indices = @transform_0, window_bounds = array<i64: 16, 65536>}, {pipeline_mode = #tpu.pipeline_mode<synchronous>, transform_indices = @transform_1, window_bounds = array<i64: 1, 1>}, {transform_indices = @transform_2, window_bounds = array<i64: 16, 65536>}]} {
    %get3A = arith.constant 0 : index
    %get3A_0 = memref.load %arg1[%get3A] : memref<1xi32, #tpu.memory_space<smem>>
    %get3A_1 = arith.constant 0 : index
    %get3A_2 = memref.load %arg2[%get3A_1] : memref<1xi32, #tpu.memory_space<smem>>
    %mul3A = arith.constant 16 : i32
    %mul3A_3 = arith.muli %arg0, %mul3A : i32
    %get3A_4 = arith.constant 0 : index
    %get3A_5 = arith.constant 0 : index
    %get3A_6 = vector.load %arg3[%get3A_4, %get3A_5] : memref<16x65536xf32, #tpu.memory_space<vmem>>, vector<16x65536xf32>
    %ge3A = arith.cmpi sge, %get3A_0, %mul3A_3 : i32
    %add3A = arith.constant 16 : i32
    %add3A_7 = arith.addi %mul3A_3, %add3A : i32
    %lt3A = arith.cmpi slt, %get3A_0, %add3A_7 : i32
    %and3A = arith.andi %ge3A, %lt3A : i1
    %convert_element_type3A = arith.extui %and3A : i1 to i32
    %cond3A = arith.constant 0 : i32
    %cond3A_8 = arith.cmpi ne, %convert_element_type3A, %cond3A : i32
    scf.if %cond3A_8 {
      %iota3A = tpu.iota {dimensions = array<i32: 0>} : vector<16x65536xi32>
      %add3A_13 = vector.broadcast %mul3A_3 : i32 to vector<16x65536xi32>
      %add3A_14 = arith.addi %iota3A, %add3A_13 : vector<16x65536xi32>
      %iota3A_15 = tpu.iota {dimensions = array<i32: 1>} : vector<16x65536xi32>
      %eq3A = vector.broadcast %get3A_0 : i32 to vector<16x65536xi32>
      %eq3A_16 = arith.cmpi eq, %add3A_14, %eq3A : vector<16x65536xi32>
      %eq3A_17 = vector.broadcast %get3A_2 : i32 to vector<16x65536xi32>
      %eq3A_18 = arith.cmpi eq, %iota3A_15, %eq3A_17 : vector<16x65536xi32>
      %and3A_19 = arith.andi %eq3A_16, %eq3A_18 : vector<16x65536xi1>
      %get3A_20 = arith.constant 0 : index
      %get3A_21 = arith.constant 0 : index
      %get3A_22 = vector.load %arg4[%get3A_20, %get3A_21] : memref<1x1xf32, #tpu.memory_space<vmem>>, vector<1x1xf32>
      %get3A_23 = vector.extract %get3A_22[0, 0] : f32 from vector<1x1xf32>
      %broadcast_in_dim3A = vector.broadcast %get3A_23 : f32 to vector<16x65536xf32>
      %select_n3A = arith.select %and3A_19, %broadcast_in_dim3A, %get3A_6 : vector<16x65536xi1>, vector<16x65536xf32>
      %swap3A = arith.constant 0 : index
      %swap3A_24 = arith.constant 0 : index
      %swap3A_25 = vector.load %arg5[%swap3A, %swap3A_24] : memref<16x65536xf32, #tpu.memory_space<vmem>>, vector<16x65536xf32>
      tpu.vector_store %arg5[%swap3A, %swap3A_24], %select_n3A {strides = array<i32>} : memref<16x65536xf32, #tpu.memory_space<vmem>>, vector<16x65536xf32>,
    } else {
    }
    %not3A = arith.constant true
    %not3A_9 = arith.xori %and3A, %not3A : i1
    %convert_element_type3A_10 = arith.extui %not3A_9 : i1 to i32
    %cond3A_11 = arith.constant 0 : i32
    %cond3A_12 = arith.cmpi ne, %convert_element_type3A_10, %cond3A_11 : i32
    scf.if %cond3A_12 {
      %swap3A = arith.constant 0 : index
      %swap3A_13 = arith.constant 0 : index
      %swap3A_14 = vector.load %arg5[%swap3A, %swap3A_13] : memref<16x65536xf32, #tpu.memory_space<vmem>>, vector<16x65536xf32>
      tpu.vector_store %arg5[%swap3A, %swap3A_13], %get3A_6 {strides = array<i32>} : memref<16x65536xf32, #tpu.memory_space<vmem>>, vector<16x65536xf32>,
    } else {
    }
    return
  }
  func.func @transform_0(%arg0: i32, %arg1: memref<1xi32, #tpu.memory_space<smem>>, %arg2: memref<1xi32, #tpu.memory_space<smem>>) -> (i32, i32) {
    %c0_i32 = arith.constant 0 : i32
    %c0_i32_0 = arith.constant 0 : i32
    return %arg0, %c0_i32 : i32, i32
  }
  func.func @transform_1(%arg0: i32, %arg1: memref<1xi32, #tpu.memory_space<smem>>, %arg2: memref<1xi32, #tpu.memory_space<smem>>) -> (i32, i32) {
    %c0_i32 = arith.constant 0 : i32
    %c0_i32_0 = arith.constant 0 : i32
    %c0_i32_1 = arith.constant 0 : i32
    return %c0_i32, %c0_i32_0 : i32, i32
  }
  func.func @transform_2(%arg0: i32, %arg1: memref<1xi32, #tpu.memory_space<smem>>, %arg2: memref<1xi32, #tpu.memory_space<smem>>) -> (i32, i32) {
    %c0_i32 = arith.constant 0 : i32
    %c0_i32_0 = arith.constant 0 : i32
    return %arg0, %c0_i32 : i32, i32
  }
}

</mosaic_0001>

<sc_bundles>
// kernel: kernel.4.cloned.1.call-start
scs
__scs_entry_jumppad:
0x0: {  	(pc) =	sbr.rel $0x88, $3  }
0x1: {  	(tag) =	ssettag $0x0;
	lr =	simm.s32 $0x1  }
0x2: {  	[smem:$0x3F9D] =	sst lr;
	_ =	strace $0xD0000000  }
0x3: {  	_ = 	snop  }
0x4: {  	_ = 	snop  }
0x5: {  	_ = 	snop  }
0x6: {  	_ = 	snop  }
0x7: {  	_ = 	snop  }
__scs_overlays_trampoline_lowered:
0x8: {  	[smem:$0x3FAC] =	sst s0  }
0x9: {  	[smem:$0x3FAD] =	sst s1  }
0xa: {  	[smem:$0x3FAE] =	sst s2  }
0xb: {  	[smem:$0x3FAF] =	sst s3  }
0xc: {  	[smem:$0x3FB0] =	sst s4  }
0xd: {  	[smem:$0x3FB1] =	sst s5  }
0xe: {  	[smem:$0x3FB2] =	sst s6  }
0xf: {  	[smem:$0x3FB3] =	sst s7  }
0x10: {  	[smem:$0x3FB4] =	sst s8  }
0x11: {  	[smem:$0x3FB5] =	sst s9;
	s0 =	simm.s32 @!p0 $0x0  }
0x12: {  	s1 =	sld [smem:$0x3F9B];
	s0 =	simm.s32 @p0 $0x1  }
0x13: {  	[smem:$0x3FB6] =	sst s0;
	s0 =	simm.s32 @!p1 $0x0  }
0x14: {  	s2 =	sld [smem:$0x3F9A];
	s0 =	simm.s32 @p1 $0x1  }
0x15: {  	[smem:$0x3FB7] =	sst s0;
	s0 =	simm.s32 @!p2 $0x0  }
0x16: {  	s3 =	sld [smem:$0x3FDB];
	s0 =	simm.s32 @p2 $0x1  }
0x17: {  	s4 =	simm.s32 $0x1BF5;
	[smem:$0x3FB9] =	sst s0  }
0x18: {  	s0 =	sld [smem:$0x3F9C];
	_ =	swait.ge [sflag:s4], $0x0  }
0x19: {  	s7 =	sld [smem:$0x3F9D]  }
0x1a: {  	s8 =	sadd.s32 $0xFFFFE003, lr  }
0x1b: {  	s9 =	sadd.s32 $0xFFFFFEF7, lr;
	s5 =	simm.s32 $0xFFFFFFFF;
	p2 =	slt.u32 s8, $0xFFFFF086  }
0x1c: {  	p1 =	slt.u32 s9, $0xF7A;
	s5 =	simm.s32 @!p2 $0x0  }
0x1d: {  	s5 =	simm.s32 @p1 $0x1;
	p0 =	seq.s32 s7, s2  }
0x1e: {  	s7 =	smul.u32 @!p0 $0xF7A, s2;
	p2 =	seq.s32 @!p0 s5, $0x0  }
0x1f: {  	s9 =	smul.u32 $0xF7A, s1;
	s8 =	simm.s32 @!p0 $0x1BF5;
	p2 =	por !p2, p0  }
0x20: {  	[sflag:s8] =	ssyncset.s32 @!p0 $0xFFFFF086;
	s6 =	sadd.s32 @!p0 s3, s7;
	s7 =	simm.s32 @!p0 $0x108  }
0x21: {  	s3 =	sadd.s32 s3, s9;
	s6 =	sadd.s32 @!p0 $0x88, s6;
	s7 =	simm.s32 @p2 $0x1082  }
0x22: {  	[simem:s7], [sflag:s8] =	dma.local @!p0 [hbm:s6], $0xF7A  }
0x23: {  	s9 =	sor.u32 $0xD0000000, s2;
	s6 =	simm.s32 $0x108;
	_ =	swait.ge @!p0 [sflag:s8], $0x0  }
0x24: {  	s3 =	sadd.s32 $0x88, s3;
	s6 =	simm.s32 @!p1 $0x1082;
	[sflag:s4] =	ssyncset.s32 $0xFFFFF086  }
0x25: {  	[simem:s6], [sflag:s4] =	dma.local [hbm:s3], $0xF7A  }
0x26: {  	[smem:$0x3F9D] =	sst s1;
	(tag) =	ssettag s2;
	_ =	strace s9  }
0x27: {  	s1 =	sld [smem:$0x3FAD]  }
0x28: {  	s2 =	sld [smem:$0x3FAE]  }
0x29: {  	s4 =	sld [smem:$0x3FB0]  }
0x2a: {  	p0 =	seq.s32 s5, $0x0;
	s5 =	sld [smem:$0x3FB1]  }
0x2b: {  	s6 =	sld [smem:$0x3FB2]  }
0x2c: {  	s7 =	sld [smem:$0x3FB3]  }
0x2d: {  	s3 =	simm.s32 $0x108;
	s8 =	sld [smem:$0x3FB4]  }
0x2e: {  	s3 =	simm.s32 @!p0 $0x1082;
	s9 =	sld [smem:$0x3FB5]  }
0x2f: {  	lr =	sadd.s32 s0, s3;
	s0 =	sld [smem:$0x3FAC]  }
0x30: {  	s3 =	sld [smem:$0x3FAF]  }
0x31: {  	[smem:$0x3FB8] =	sst s10  }
0x32: {  	s10 =	sld [smem:$0x3FB6];
	_ =	sdelay $0x3  }
0x33: {  	p0 =	seq.s32 s10, $0x1;
	s10 =	sld [smem:$0x3FB8];
	_ =	sdelay $0x3  }
0x34: {  	[smem:$0x3FB8] =	sst s10  }
0x35: {  	s10 =	sld [smem:$0x3FB7];
	_ =	sdelay $0x3  }
0x36: {  	p1 =	seq.s32 s10, $0x1;
	s10 =	sld [smem:$0x3FB8];
	_ =	sdelay $0x3  }
0x37: {  	[smem:$0x3FB8] =	sst s10  }
0x38: {  	s10 =	sld [smem:$0x3FB9]  }
0x39: {  	_ = 	snop;
	(pc) =	sbr.ind lr, $3  }
0x3a: {  	_ = 	snop  }
0x3b: {  	_ = 	snop  }
0x3c: {  	p2 =	seq.s32 s10, $0x1;
	s10 =	sld [smem:$0x3FB8]  }
0x3d: {  	_ =	shalt  }
0x3e: {  	_ =	shalt  }
0x3f: {  	_ =	shalt  }
0x40: {  	_ =	shalt  }
0x41: {  	_ =	shalt  }
0x42: {  	_ =	shalt  }
0x43: {  	_ =	shalt  }
0x44: {  	_ =	shalt  }
0x45: {  	_ =	shalt  }
0x46: {  	_ =	shalt  }
0x47: {  	_ =	shalt  }
0x48: {  	_ =	shalt  }
0x49: {  	_ =	shalt  }
0x4a: {  	_ =	shalt  }
0x4b: {  	_ =	shalt  }
0x4c: {  	_ =	shalt  }
0x4d: {  	_ =	shalt  }
0x4e: {  	_ =	shalt  }
0x4f: {  	_ =	shalt  }
0x50: {  	_ =	shalt  }
0x51: {  	_ =	shalt  }
0x52: {  	_ =	shalt  }
0x53: {  	_ =	shalt  }
0x54: {  	_ =	shalt  }
0x55: {  	_ =	shalt  }
0x56: {  	_ =	shalt  }
0x57: {  	_ =	shalt  }
0x58: {  	_ =	shalt  }
0x59: {  	_ =	shalt  }
0x5a: {  	_ =	shalt  }
0x5b: {  	_ =	shalt  }
0x5c: {  	_ =	shalt  }
0x5d: {  	_ =	shalt  }
0x5e: {  	_ =	shalt  }
0x5f: {  	_ =	shalt  }
0x60: {  	_ =	shalt  }
0x61: {  	_ =	shalt  }
0x62: {  	_ =	shalt  }
0x63: {  	_ =	shalt  }
0x64: {  	_ =	shalt  }
0x65: {  	_ =	shalt  }
0x66: {  	_ =	shalt  }
0x67: {  	_ =	shalt  }
0x68: {  	_ =	shalt  }
0x69: {  	_ =	shalt  }
0x6a: {  	_ =	shalt  }
0x6b: {  	_ =	shalt  }
0x6c: {  	_ =	shalt  }
0x6d: {  	_ =	shalt  }
0x6e: {  	_ =	shalt  }
0x6f: {  	_ =	shalt  }
0x70: {  	_ =	shalt  }
0x71: {  	_ =	shalt  }
0x72: {  	_ =	shalt  }
0x73: {  	_ =	shalt  }
0x74: {  	_ =	shalt  }
0x75: {  	_ =	shalt  }
0x76: {  	_ =	shalt  }
0x77: {  	_ =	shalt  }
0x78: {  	_ =	shalt  }
0x79: {  	_ =	shalt  }
0x7a: {  	_ =	shalt  }
0x7b: {  	_ =	shalt  }
0x7c: {  	_ =	shalt  }
0x7d: {  	_ =	shalt  }
0x7e: {  	_ =	shalt  }
0x7f: {  	_ =	shalt  }
0x80: {  	_ =	shalt  }
0x81: {  	_ =	shalt  }
0x82: {  	_ =	shalt  }
0x83: {  	_ =	shalt  }
0x84: {  	_ =	shalt  }
0x85: {  	_ =	shalt  }
0x86: {  	_ =	shalt  }
0x87: {  	_ =	shalt  }
.Lfunc_end0:
.L_simem_size_0:
called_computation_lowered:
.L_overlay_start_0:
0x88: {  	s2 =	sld [smem:$0x3FD9]  }
0x89: {  	s3 =	sld [smem:$0x3FFE];
	_ =	sdelay $0x1  }
0x8a: {  	s1 =	srdreg.scid  }
0x8b: {  	s0 =	sand.u32 $0x1, s1  }
0x8c: {  	s14 =	sshll.u32 s0, $0xA;
	s2 =	sadd.s32 s3, s2  }
0x8d: {  	s2 =	sadd.s32 s2, s14  }
0x8e: {  	[smem:$0x3FC4] =	sst s2  }
0x8f: {  	_ = 	snop  }
0x90: {  	s2 =	sld [smem:$0x3FD0];
	_ =	sdelay $0x2  }
0x91: {  	s4 =	simm.s32 $0xA;
	s5 =	simm.s32 $0x10;
	s15 =	sld [smem:$0x3FC8]  }
0x92: {  	[smem:s5], [sflag:s4] =	dma.local [hbm:s2], $0x1  }
0x93: {  	_ =	swait.eq [sflag:s4], $0x1  }
0x94: {  	[sflag:s4] =	ssyncset.done $0x0  }
0x95: {  	[sflag:s4] =	ssyncadd.s32 $0xFFFFFFFF  }
0x96: {  	s16 =	sld [smem:$0x11];
	(tm) =	ssettm $0x1  }
0x97: {  	s17 =	sld [smem:$0x3FFB];
	_ =	sdelay $0x3  }
0x98: {  	_ =	strace s17  }
0x99: {  	s4 =	sld [smem:$0x3FFC];
	_ =	sdelay $0x3  }
0x9a: {  	_ =	strace s4  }
0x9b: {  	s4 =	sld [smem:$0x3FFD];
	_ =	sdelay $0x3  }
0x9c: {  	_ =	strace s4  }
0x9d: {  	_ =	strace $0x8FFFFFFF  }
0x9e: {  	s18 =	sld [smem:$0x3FDB];
	_ =	sdelay $0x1  }
0x9f: {  	s19 =	simm.s32 $_scs_section_size  }
0xa0: {  	s6 =	simm.s32 $_size__tile_overlayer_lowered;
	s7 =	simm.s32 $_tile_overlayer_lowered  }
0xa1: {  	s22 =	simm.s32 $0x1BFF;
	s21 =	sshll.u32 s7, $0x1;
	s4 =	sadd.s32 s19, s18  }
0xa2: {  	s8 =	simm.s32 $0x0;
	s20 =	sshll.u32 s6, $0x1;
	s6 =	sadd.s32 s21, s4  }
0xa3: {  	[timem:s8], [sflag:s22] =	dma.local [hbm:s6], s20  }
0xa4: {  	_ =	swait.ge [sflag:s22], s20  }
0xa5: {  	s5 =	ssub.s32 $0x0, s20;
	[sflag:s22] =	ssyncset.done $0x0  }
0xa6: {  	[sflag:s22] =	ssyncadd.s32 s5;
	_ =	sdelay $0x1  }
0xa7: {  	s23 =	simm.s32 $0x1B8B  }
0xa8: {  	_ =	swait.ge [sflag:s23], $0x1  }
0xa9: {  	[sflag:s23] =	ssyncset.done $0x0  }
0xaa: {  	s25 =	simm.s32 $0x1B8E;
	s24 =	sld [smem:$0x3FFE];
	[sflag:s23] =	ssyncadd.s32 $0xFFFFFFFF  }
0xab: {  	s26 =	simm.s32 $execute0_lowered;
	[smem:$0x3FD2] =	sst s25  }
0xac: {  	s6 =	sshll.u32 s26, $0x1;
	_ =	strace $0x80000046;
	[dreg:$0x1] =	wrdreg $0xFFFFFFFF  }
0xad: {  	s28 =	simm.s32 $_size_execute0_lowered;
	s4 =	sadd.s32 s4, s6;
	[dreg:$0x0] =	wrdreg $0x0  }
0xae: {  	s6 =	sshll.u32 s28, $0x1;
	[dreg:$0x2] =	wrdreg s4  }
0xaf: {  	[dreg:$0x3] =	wrdreg s6  }
0xb0: {  	[dreg:$0x4] =	wrdreg $0xC0  }
0xb1: {  	_ =	task [dreg:s8], $0x5FFFF  }
0xb2: {  	[dreg:$0x1] =	wrdreg $0xFFFFFFFF  }
0xb3: {  	[dreg:$0x0] =	wrdreg $0x60  }
0xb4: {  	[dreg:$0x2] =	wrdreg s15  }
0xb5: {  	[dreg:$0x3] =	wrdreg s24  }
0xb6: {  	[dreg:$0x4] =	wrdreg s16  }
0xb7: {  	[dreg:$0x5] =	wrdreg $0x9  }
0xb8: {  	_ =	task.clear_ibuf [dreg:s8], $0x6FFFF;
	_ =	strace $0x90000046  }
0xb9: {  	s29 =	simm.s32 $0x9;
	_ =	strace $0x80000048  }
0xba: {  	_ =	swait.ge [sflag:s29], $0x1  }
0xbb: {  	[sflag:s29] =	ssyncadd.s32 $0xFFFFFFFF  }
0xbc: {  	_ =	strace $0x90000048  }
0xbd: {  	_ =	sfence  }
0xbe: {  	s30 =	sld [smem:$0x0];
	_ =	sdelay $0x2  }
0xbf: {  	s31 =	sshll.u32 s1, $0xD;
	s1 =	sshrl.u32 s1, $0x2  }
0xc0: {  	s3 =	sand.u32 $0x4000, s31;
	s1 =	sadd.s32 s1, s30  }
0xc1: {  	s0 =	sor.u32 s3, s0;
	s1 =	sshll.u32 s1, $0x11  }
0xc2: {  	s0 =	sor.u32 s1, s0  }
0xc3: {  	s0 =	sadd.s32 $0x8F2B, s0  }
0xc4: {  	[sflag:s0] =	ssyncadd.remote.s32 $0x1  }
0xc5: {  	_ =	sfence.sel $0xFFFF  }
0xc6: {  	[dreg:$0x0] =	wrdreg $0xFFFFFFFF;
	(pc) =	sbr.abs _section_cstart, $3  }
0xc7: {  	[dreg:$0x1] =	wrdreg $0xFFFFFFFF  }
0xc8: {  	_ =	task.clear_ibuf [dreg:s8], $0x2FFFF;
	_ =	strace $0x9FFFFFFF  }
0xc9: {  	(tm) =	ssettm $0x7FFFFFFF  }
tec
execute0_lowered:
.L_overlay_start_1:
0x0: {  	(tag) =	ssettag $0x1  }
0x1: {  	s0 =	srdreg.scid  }
0x2: {  	s8 =	sand.u32 $0x1, s0;
	s0 =	stileid.u32  }
0x3: {  	s4 =	sor.u32 s0, s8  }
0x4: {  	p0 =	sne.s32 s4, $0x0  }
.Ltmp0:
0x5: {  	_ = 	snop;
	(pc) =	sbr.rel @p0 .LBB2_4-.Ltmp0, $4  }
0x6: {  	s2 =	rddreg [dreg:$0x0]  }
0x7: {  	s6 =	rddreg [dreg:$0x1]  }
0x8: {  	s3 =	rddreg [dreg:$0x2]  }
0x9: {  	s1 =	rddreg [dreg:$0x3];
	_ =	strace $0x80000047  }
0xa: {  	s5 =	simm.s32 $0x0;
	s4 =	simm.s32 $0x1  }
0xb: {  	[tilespmem:s5], [sflag:$0x1] =	stream.linear.gather [hbm4b:s2+s5], $0x80, $0x38;
	[tilespmem:$0x100] =	vst v63  }
0xc: {  	_ =	swait.ge [sflag:s4], $0x80  }
0xd: {  	[sflag:s4] =	ssyncset.done $0x0  }
0xe: {  	s6 =	sadd.s32 $0x800, s6;
	s7 =	simm.s32 $0x80;
	[sflag:s4] =	ssyncadd.s32 $0xFFFFFF80  }
0xf: {  	[tilespmem:s7], [sflag:$0x1] =	stream.linear.gather [hbm4b:s6+s5], $0x80, $0x38;
	[tilespmem:$0x100] =	vst v63  }
0x10: {  	_ =	swait.ge [sflag:s4], $0x80  }
0x11: {  	[sflag:s4] =	ssyncset.done $0x0  }
0x12: {  	[sflag:s4] =	ssyncadd.s32 $0xFFFFFF80  }
0x13: {  	v5 =	vld [tilespmem:$0x80];
	_ =	sdelay $0x1  }
0x14: {  	v6 =	vld [tilespmem:$0x0]  }
0x15: {  	s8 =	ssub.s32 $0x2, s8;
	v7 =	vld [tilespmem:$0x20]  }
0x16: {  	v0 =	vlaneseq.u32;
	v1 =	vimm.s32 $0x0;
	s9 =	sshrl.u32 s8, $0x1;
	v8 =	vld [tilespmem:$0x30]  }
0x17: {  	v2 =	vor.u32 $0x10, v0;
	v3 =	vor.u32 $0x20, v0;
	s8 =	ssub.s32 s8, s9;
	v9 =	vld [tilespmem:$0x10];
	vm0 =	veq.s32 v5, v0  }
0x18: {  	v4 =	vor.u32 $0x30, v0;
	p0 =	sne.s32 s8, $0x1;
	vm1 =	veq.s32 v5, v3;
	v10 =	vsel vm0, $0x1, v1  }
.Ltmp1:
0x19: {  	vm14 =	veq.s32 v5, v4;
	v63 =	vsel vm1, $0x1, v1;
	v6 =	vadd.s32 v10, v6;
	(pc) =	sbr.rel @!p0 .LBB2_3-.Ltmp1, $4  }
0x1a: {  	vm15 =	veq.s32 v5, v2;
	v5 =	vadd.s32 v63, v7;
	[tilespmem:$0x0] =	vst v6;
	v6 =	vsel vm14, $0x1, v1  }
0x1b: {  	v7 =	vsel vm15, $0x1, v1;
	[tilespmem:$0x20] =	vst v5;
	v5 =	vadd.s32 v6, v8  }
0x1c: {  	v6 =	vadd.s32 v7, v9;
	[tilespmem:$0x30] =	vst v5  }
0x1d: {  	s8 =	sadd.s32 $0xFFFFFFFF, s8;
	[tilespmem:$0x10] =	vst v6  }
.LBB2_2:
0x1e: {  	[hbm4b:s3+s5] =	stream.linear.scatter [tilespmem:s5], [sflag:$0x1], $0x80, $0x38;
	[tilespmem:$0x100] =	vst v63  }
0x1f: {  	p0 =	sne.s32 s8, $0x1;
	s8 =	sadd.s32 $0xFFFFFFFF, s8;
	_ =	swait.ge [sflag:s4], $0x80  }
0x20: {  	[sflag:s4] =	ssyncset.done $0x0  }
0x21: {  	[sflag:s4] =	ssyncadd.s32 $0xFFFFFF80  }
0x22: {  	[tilespmem:s5], [sflag:$0x1] =	stream.linear.gather [hbm4b:s2+s5], $0x80, $0x38;
	[tilespmem:$0x100] =	vst v63  }
0x23: {  	_ =	swait.ge [sflag:s4], $0x80  }
0x24: {  	[sflag:s4] =	ssyncset.done $0x0  }
0x25: {  	[sflag:s4] =	ssyncadd.s32 $0xFFFFFF80  }
0x26: {  	[tilespmem:s7], [sflag:$0x1] =	stream.linear.gather [hbm4b:s6+s5], $0x80, $0x38;
	[tilespmem:$0x100] =	vst v63  }
0x27: {  	_ =	swait.ge [sflag:s4], $0x80  }
0x28: {  	[sflag:s4] =	ssyncset.done $0x0  }
0x29: {  	[sflag:s4] =	ssyncadd.s32 $0xFFFFFF80  }
0x2a: {  	v5 =	vld [tilespmem:$0x80]  }
0x2b: {  	v6 =	vld [tilespmem:$0x10]  }
0x2c: {  	v7 =	vld [tilespmem:$0x0]  }
0x2d: {  	v8 =	vld [tilespmem:$0x20]  }
0x2e: {  	v9 =	vld [tilespmem:$0x30]  }
0x2f: {  	vm0 =	veq.s32 v5, v0;
	vm1 =	veq.s32 v5, v2;
	vm2 =	veq.s32 v5, v3  }
0x30: {  	v10 =	vsel vm0, $0x1, v1;
	v11 =	vsel vm1, $0x1, v1;
	vm0 =	veq.s32 v5, v4  }
.Ltmp2:
0x31: {  	v5 =	vadd.s32 v10, v7;
	v6 =	vadd.s32 v11, v6;
	v7 =	vsel vm2, $0x1, v1;
	(pc) =	sbr.rel @p0 .LBB2_2-.Ltmp2, $4  }
0x32: {  	[tilespmem:$0x0] =	vst v5;
	v5 =	vadd.s32 v7, v8;
	v7 =	vsel vm0, $0x1, v1  }
0x33: {  	[tilespmem:$0x20] =	vst v5;
	v5 =	vadd.s32 v7, v9  }
0x34: {  	[tilespmem:$0x30] =	vst v5  }
0x35: {  	[tilespmem:$0x10] =	vst v6  }
.LBB2_3:
0x36: {  	[hbm4b:s3+s5] =	stream.linear.scatter [tilespmem:s5], [sflag:$0x1], $0x80, $0x38;
	[tilespmem:$0x100] =	vst v63  }
0x37: {  	_ =	swait.ge [sflag:s4], $0x80  }
0x38: {  	[sflag:s4] =	ssyncset.done $0x0  }
0x39: {  	[sflag:s4] =	ssyncadd.s32 $0xFFFFFF80  }
.LBB2_4:
0x3a: {  	_ =	sfence.sel $0x180000  }
0x3b: {  	[bflag:$0x0] =	sbarrier.arrive $0xFFFF  }
0x3c: {  	p0 =	sne.s32 s0, $0x0;
	_ =	strace $0x90000047  }
0x3d: {  	s0 =	sadd.s32 @!p0 $0x100000, s1;
	[bflag:$0x2] =	sbarrier.arrive $0xFFFF  }
0x3e: {  	[sflag:s0] =	ssyncadd.tile.s32 @!p0 $0x1;
	_ =	shalt  }
.Lfunc_end2:
_tile_overlayer_lowered:
.L_overlay_start_2:
0x3f: {  	(tag) =	ssettag $0x2  }
0x40: {  	s0 =	rddreg [dreg:$0x0];
	s2 =	stileid.u32  }
0x41: {  	s1 =	rddreg [dreg:$0x1];
	p0 =	sne.s32 s2, $0x0  }
0x42: {  	s3 =	rddreg [dreg:$0x2];
	[bflag:$0x3] =	sbarrier.arrive $0xFFFF;
	s2 =	simm.s32 @!p0 $0x1C01  }
0x43: {  	[timem:s3], [sflag:s2] =	dma.local @!p0 [hbm:s0], s1  }
0x44: {  	s0 =	simm.s32 @!p0 $0x1  }
0x45: {  	_ =	swait.ge @!p0 [sflag:s0], s1  }
0x46: {  	s1 =	ssub.s32 @!p0 $0x0, s1;
	[sflag:s0] =	ssyncset.done @!p0 $0x0  }
0x47: {  	[sflag:s0] =	ssyncadd.s32 @!p0 s1  }
0x48: {  	[bflag:$0x3] =	sbarrier.arrive $0xFFFF  }
0x49: {  	_ =	shalt  }

</sc_bundles>
